<compile_context>
chip_gen: v7x
topology: tpu7x:2x2x1
jax: 0.10.2.dev20260603
libtpu: 0.0.44.dev20260713+nightly
codegen_flags: <defaults>
</compile_context>

<pallas_src>
import functools

import jax
import jax.numpy as jnp
from jax import lax
from jax.experimental import pallas as pl
from jax.experimental.pallas import tpu as pltpu
from jax.experimental.pallas import tpu_sc as plsc

_NC = 2
_NS = 16
_NW = _NC * _NS
_D = 128
_K = 512
_O = 2
_PB = 16384


def _fuse_body(t_ref, w_ref, b_ref, o_ref):
    o_ref[...] = (
        jnp.dot(t_ref[...], w_ref[...], preferred_element_type=jnp.float32)
        + b_ref[...]
    )


def _fuse_table(table, W, b):
    V, E = table.shape
    O = W.shape[0]
    rows_per = 64
    w_in = rows_per * E
    w_out = rows_per * _D
    flat_rows = V // rows_per
    t_flat = table.reshape(flat_rows, w_in)
    w_pad = jnp.zeros((_D, E), jnp.float32).at[:O].set(W)
    b_pad = jnp.zeros((_D,), jnp.float32).at[:O].set(b)
    w_big = jnp.kron(jnp.eye(rows_per, dtype=jnp.float32), w_pad.T)
    b_tile = jnp.tile(b_pad, rows_per)[None, :]
    blk = 256
    grid = (flat_rows + blk - 1) // blk
    out_flat = pl.pallas_call(
        _fuse_body,
        grid=(grid,),
        in_specs=[
            pl.BlockSpec((blk, w_in), lambda i: (i, 0)),
            pl.BlockSpec((w_in, w_out), lambda i: (0, 0)),
            pl.BlockSpec((1, w_out), lambda i: (0, 0)),
        ],
        out_specs=pl.BlockSpec((blk, w_out), lambda i: (i, 0)),
        out_shape=jax.ShapeDtypeStruct((flat_rows, w_out), jnp.float32),
    )(t_flat, w_big, b_tile)
    return out_flat.reshape(V, _D)


def _sc_gather(fused, idx):
    n = idx.shape[0]
    per_w = n // _NW
    stages = per_w // _K
    mesh = plsc.VectorSubcoreMesh(
        core_axis_name="c", subcore_axis_name="s",
        num_cores=_NC, num_subcores=_NS,
    )

    @functools.partial(
        pl.kernel,
        mesh=mesh,
        compiler_params=pltpu.CompilerParams(needs_layout_passes=False),
        out_type=jax.ShapeDtypeStruct((n // _PB, _O * _PB), jnp.float32),
        scratch_types=[
            pltpu.VMEM((_K,), jnp.int32),
            pltpu.VMEM((_K, _D), jnp.float32),
            pltpu.VMEM((_K * _O,), jnp.float32),
            pltpu.SemaphoreType.DMA,
        ],
    )
    def gather_kernel(table_hbm, idx_hbm, out_hbm, idx_v, rows_v, com_v, sem):
        wid = lax.axis_index("s") * _NC + lax.axis_index("c")
        base = wid * per_w
        lane = lax.iota(jnp.int32, 16)
        live = lane < _O

        def stage(s, carry):
            p0 = base + s * _K
            h = p0 // _PB
            b0 = p0 - h * _PB
            pltpu.sync_copy(idx_hbm.at[pl.ds(p0, _K)], idx_v)
            pltpu.async_copy(table_hbm.at[idx_v], rows_v, sem).wait()

            def compact(g, c2):
                for u in range(8):
                    r = g * 8 + u
                    rhi = (r // 128) * (_O * 128)
                    rlo = r % 128
                    v = rows_v[r, pl.ds(0, 16)]
                    plsc.store_scatter(
                        com_v, [lane * 128 + (rhi + rlo)], v, mask=live
                    )
                return c2

            lax.fori_loop(0, _K // 8, compact, 0)
            pltpu.sync_copy(
                com_v, out_hbm.at[h, pl.ds(b0 * _O, _K * _O)]
            )
            return carry

        lax.fori_loop(0, stages, stage, 0)

    return gather_kernel(fused, idx)


def kernel(inputs, embed_table, W, b):
    B, L = inputs.shape
    O = W.shape[0]
    fused = _fuse_table(embed_table, W, b)
    idx_flat = inputs.T.reshape(-1)
    out2d = _sc_gather(fused, idx_flat)
    out4 = out2d.reshape(L, B // 128, O, 128)
    return out4.transpose(1, 3, 0, 2).reshape(B, L, O)

# --- scband reference (transcript-rebuilt; emitter-appended) ---
"""Pipeline reference for scband-sequence-prediction-40080634807125 (READ-ONLY COPY).

The authoritative reference and input builder live on the scoring server;
editing this copy changes nothing except your own understanding.
"""

import jax, jax.numpy as jnp
import numpy as np

N_VOCAB = 1000000
EMBED_DIM = 4
OUT_DIM = 2
BATCH = 16384
HIST = 200

def setup_inputs(seed: int = 0) -> dict:
    key = jax.random.key(seed)
    k_idx, k_emb, k_w, k_b = jax.random.split(key, 4)
    inputs = jax.random.randint(k_idx, (BATCH, HIST), 0, N_VOCAB, dtype=jnp.int64 if jax.config.jax_enable_x64 else jnp.int32).astype(jnp.int32)
    embed_table = jax.random.normal(k_emb, (N_VOCAB, EMBED_DIM), dtype=jnp.float32)
    # torch Linear: weight [out, in], bias [out]
    bound = 1.0 / np.sqrt(EMBED_DIM)
    W = jax.random.uniform(k_w, (OUT_DIM, EMBED_DIM), dtype=jnp.float32, minval=-bound, maxval=bound)
    b = jax.random.uniform(k_b, (OUT_DIM,), dtype=jnp.float32, minval=-bound, maxval=bound)
    return {"inputs": inputs, "embed_table": embed_table, "W": W, "b": b}

def reference(inputs, embed_table, W, b):
    hidden = jnp.take(embed_table, inputs, axis=0)  # [B, L, 4]
    logits = hidden @ W.T + b                        # [B, L, 2]
    return logits

if __name__ == "__main__":
    import jax
    _d = setup_inputs()
    print(jax.jit(kernel)(*tuple(_d.values())))

</pallas_src>

<mosaic_0001>
#map = affine_map<(d0, d1) -> (0, 0)>
#map1 = affine_map<(d0, d1) -> (0)>
module attributes {stable_mosaic.version = 14 : i64} {
  func.func @gather_kernel(%arg0: i32, %arg1: i32, %arg2: memref<1000000x128xf32, #tpu.memory_space<hbm>>, %arg3: memref<3276800xi32, #tpu.memory_space<hbm>>, %arg4: memref<200x32768xf32, #tpu.memory_space<hbm>>, %arg5: memref<512xi32, #tpu.memory_space<vmem>>, %arg6: memref<512x128xf32, #tpu.memory_space<vmem>>, %arg7: memref<1024xf32, #tpu.memory_space<vmem>>, %arg8: memref<!tpu.dma_semaphore, #tpu.memory_space<semaphore_mem>>) attributes {dimension_semantics = [#tpu.dimension_semantics<core_parallel>, #tpu.dimension_semantics<subcore_parallel>], iteration_bounds = array<i64: 2, 16>, scalar_prefetch = 0 : i64, scratch_operands = 4 : i64, tpu.core_type = #tpu.core_type<sc_vector_subcore>, window_params = [{transform_indices = #map}, {transform_indices = #map1}, {transform_indices = #map}]} {
    %mul3A = arith.constant 2 : i32
    %mul3A_0 = arith.muli %arg1, %mul3A : i32
    %add3A = arith.addi %mul3A_0, %arg0 : i32
    %mul3A_1 = arith.constant 102400 : i32
    %mul3A_2 = arith.muli %add3A, %mul3A_1 : i32
    %iota3A = tpu.iota {dimensions = array<i32: 0>} : vector<16xi32>
    %lt3A = arith.constant 2 : i32
    %lt3A_3 = vector.broadcast %lt3A : i32 to vector<16xi32>
    %lt3A_4 = arith.cmpi slt, %iota3A, %lt3A_3 : vector<16xi32>
    %scan3A = arith.constant 0 : i32
    %scan3A_5 = arith.constant 0 : i32
    %scan3A_6 = arith.constant 200 : i32
    %scan3A_7 = arith.addi %scan3A_5, %scan3A_6 : i32
    %scan3A_8 = arith.constant 1 : i32
    scf.for %scan3A_10 = %scan3A_5 to %scan3A_7 step %scan3A_8  : i32 {
      %mul3A_11 = arith.constant 512 : i32
      %mul3A_12 = arith.muli %scan3A_10, %mul3A_11 : i32
      %add3A_13 = arith.addi %mul3A_2, %mul3A_12 : i32
      %jit3A = arith.constant 16384 : i32
      %div3A = arith.divsi %add3A_13, %jit3A : i32
      %sign3A = arith.constant 0 : i32
      %sign3A_14 = arith.cmpi sgt, %add3A_13, %sign3A : i32
      %sign3A_15 = arith.extui %sign3A_14 : i1 to i32
      %sign3A_16 = arith.constant 0 : i32
      %sign3A_17 = arith.cmpi slt, %add3A_13, %sign3A_16 : i32
      %sign3A_18 = arith.extui %sign3A_17 : i1 to i32
      %sign3A_19 = arith.subi %sign3A_15, %sign3A_18 : i32
      %sign3A_20 = arith.constant 0 : i32
      %sign3A_21 = arith.cmpi sgt, %jit3A, %sign3A_20 : i32
      %sign3A_22 = arith.extui %sign3A_21 : i1 to i32
      %sign3A_23 = arith.constant 0 : i32
      %sign3A_24 = arith.cmpi slt, %jit3A, %sign3A_23 : i32
      %sign3A_25 = arith.extui %sign3A_24 : i1 to i32
      %sign3A_26 = arith.subi %sign3A_22, %sign3A_25 : i32
      %ne3A = arith.cmpi ne, %sign3A_19, %sign3A_26 : i32
      %rem3A = arith.remsi %add3A_13, %jit3A : i32
      %ne3A_27 = arith.constant 0 : i32
      %ne3A_28 = arith.cmpi ne, %rem3A, %ne3A_27 : i32
      %and3A = arith.andi %ne3A, %ne3A_28 : i1
      %sub3A = arith.constant 1 : i32
      %sub3A_29 = arith.subi %div3A, %sub3A : i32
      %select_n3A = arith.select %and3A, %sub3A_29, %div3A : i32
      %mul3A_30 = arith.constant 16384 : i32
      %mul3A_31 = arith.muli %select_n3A, %mul3A_30 : i32
      %sub3A_32 = arith.subi %add3A_13, %mul3A_31 : i32
      "tpu.region"() ({
        %run_scoped3A = tpu.sem_alloc : memref<!tpu.dma_semaphore, #tpu.memory_space<semaphore_mem>>
        %dma_start3A_45 = tpu.memref_slice %arg3[%add3A_13] : memref<3276800xi32, #tpu.memory_space<hbm>> -> memref<512xi32, #tpu.memory_space<hbm>>
        %dma_start3A_46 = tpu.memref_slice %arg3[%add3A_13] : memref<3276800xi32, #tpu.memory_space<hbm>> -> memref<512xi32, #tpu.memory_space<hbm>>
        tpu.enqueue_dma source(%dma_start3A_46 : memref<512xi32, #tpu.memory_space<hbm>>) target(%arg5 : memref<512xi32, #tpu.memory_space<vmem>>) target_semaphore(%run_scoped3A : memref<!tpu.dma_semaphore, #tpu.memory_space<semaphore_mem>>)
        %dma_wait3A_47 = tpu.memref_slice %arg3[%add3A_13] : memref<3276800xi32, #tpu.memory_space<hbm>> -> memref<512xi32, #tpu.memory_space<hbm>>
        %dma_wait3A_48 = tpu.memref_slice %arg3[%add3A_13] : memref<3276800xi32, #tpu.memory_space<hbm>> -> memref<512xi32, #tpu.memory_space<hbm>>
        tpu.wait_dma2 semaphore(%run_scoped3A : memref<!tpu.dma_semaphore, #tpu.memory_space<semaphore_mem>>) src(%dma_wait3A_48 : memref<512xi32, #tpu.memory_space<hbm>>) dst(%arg5 : memref<512xi32, #tpu.memory_space<vmem>>)
        tpu.yield
      }) : () -> ()
      %dma_start3A = arith.constant 0 : i32
      %dma_start3A_33 = arith.constant 0 : i32
      %dma_start3A_34 = tpu.memref_slice %arg2[%dma_start3A, %dma_start3A_33] : memref<1000000x128xf32, #tpu.memory_space<hbm>> -> memref<1000000x128xf32, #tpu.memory_space<hbm>>
      tpu.enqueue_indirect_dma source(%dma_start3A_34 : memref<1000000x128xf32, #tpu.memory_space<hbm>>) target(%arg6 : memref<512x128xf32, #tpu.memory_space<vmem>>) offsets(%arg5 : memref<512xi32, #tpu.memory_space<vmem>>) semaphore(%arg8 : memref<!tpu.dma_semaphore, #tpu.memory_space<semaphore_mem>>)
      %dma_wait3A = arith.constant 0 : i32
      %dma_wait3A_35 = arith.constant 0 : i32
      %dma_wait3A_36 = tpu.memref_slice %arg2[%dma_wait3A, %dma_wait3A_35] : memref<1000000x128xf32, #tpu.memory_space<hbm>> -> memref<1000000x128xf32, #tpu.memory_space<hbm>>
      tpu.wait_indirect_dma semaphore(%arg8 : memref<!tpu.dma_semaphore, #tpu.memory_space<semaphore_mem>>) src(%dma_wait3A_36 : memref<1000000x128xf32, #tpu.memory_space<hbm>>) dst(%arg6 : memref<512x128xf32, #tpu.memory_space<vmem>>)
      %scan3A_37 = arith.constant 0 : i32
      %scan3A_38 = arith.constant 0 : i32
      %scan3A_39 = arith.constant 64 : i32
      %scan3A_40 = arith.addi %scan3A_38, %scan3A_39 : i32
      %scan3A_41 = arith.constant 1 : i32
      scf.for %scan3A_45 = %scan3A_38 to %scan3A_40 step %scan3A_41  : i32 {
        %mul3A_46 = arith.constant 8 : i32
        %mul3A_47 = arith.muli %scan3A_45, %mul3A_46 : i32
        %add3A_48 = arith.constant 0 : i32
        %add3A_49 = arith.addi %mul3A_47, %add3A_48 : i32
        %jit3A_50 = arith.constant 128 : i32
        %div3A_51 = arith.divsi %add3A_49, %jit3A_50 : i32
        %sign3A_52 = arith.constant 0 : i32
        %sign3A_53 = arith.cmpi sgt, %add3A_49, %sign3A_52 : i32
        %sign3A_54 = arith.extui %sign3A_53 : i1 to i32
        %sign3A_55 = arith.constant 0 : i32
        %sign3A_56 = arith.cmpi slt, %add3A_49, %sign3A_55 : i32
        %sign3A_57 = arith.extui %sign3A_56 : i1 to i32
        %sign3A_58 = arith.subi %sign3A_54, %sign3A_57 : i32
        %sign3A_59 = arith.constant 0 : i32
        %sign3A_60 = arith.cmpi sgt, %jit3A_50, %sign3A_59 : i32
        %sign3A_61 = arith.extui %sign3A_60 : i1 to i32
        %sign3A_62 = arith.constant 0 : i32
        %sign3A_63 = arith.cmpi slt, %jit3A_50, %sign3A_62 : i32
        %sign3A_64 = arith.extui %sign3A_63 : i1 to i32
        %sign3A_65 = arith.subi %sign3A_61, %sign3A_64 : i32
        %ne3A_66 = arith.cmpi ne, %sign3A_58, %sign3A_65 : i32
        %rem3A_67 = arith.remsi %add3A_49, %jit3A_50 : i32
        %ne3A_68 = arith.constant 0 : i32
        %ne3A_69 = arith.cmpi ne, %rem3A_67, %ne3A_68 : i32
        %and3A_70 = arith.andi %ne3A_66, %ne3A_69 : i1
        %sub3A_71 = arith.constant 1 : i32
        %sub3A_72 = arith.subi %div3A_51, %sub3A_71 : i32
        %select_n3A_73 = arith.select %and3A_70, %sub3A_72, %div3A_51 : i32
        %mul3A_74 = arith.constant 256 : i32
        %mul3A_75 = arith.muli %select_n3A_73, %mul3A_74 : i32
        %jit3A_76 = arith.constant 128 : i32
        %eq3A = arith.constant 0 : i32
        %eq3A_77 = arith.cmpi eq, %jit3A_76, %eq3A : i32
        %jit3A_78 = arith.constant 1 : i32
        %select_n3A_79 = arith.select %eq3A_77, %jit3A_78, %jit3A_76 : i32
        %rem3A_80 = arith.remsi %add3A_49, %select_n3A_79 : i32
        %ne3A_81 = arith.constant 0 : i32
        %ne3A_82 = arith.cmpi ne, %rem3A_80, %ne3A_81 : i32
        %lt3A_83 = arith.constant 0 : i32
        %lt3A_84 = arith.cmpi slt, %rem3A_80, %lt3A_83 : i32
        %lt3A_85 = arith.constant 0 : i32
        %lt3A_86 = arith.cmpi slt, %select_n3A_79, %lt3A_85 : i32
        %ne3A_87 = arith.xori %lt3A_84, %lt3A_86 : i1
        %and3A_88 = arith.andi %ne3A_87, %ne3A_82 : i1
        %add3A_89 = arith.addi %rem3A_80, %select_n3A_79 : i32
        %select_n3A_90 = arith.select %and3A_88, %add3A_89, %rem3A_80 : i32
        %get3A = arith.index_cast %add3A_49 : i32 to index
        %get3A_91 = arith.constant 0 : index
        %get3A_92 = tpu.vector_load %arg6[%get3A, %get3A_91] {strides = array<i32>} : memref<512x128xf32, #tpu.memory_space<vmem>>, vector<16xf32>,
        %mul3A_93 = arith.constant 128 : i32
        %mul3A_94 = vector.broadcast %mul3A_93 : i32 to vector<16xi32>
        %mul3A_95 = arith.muli %iota3A, %mul3A_94 : vector<16xi32>
        %add3A_96 = arith.addi %mul3A_75, %select_n3A_90 : i32
        %add3A_97 = vector.broadcast %add3A_96 : i32 to vector<16xi32>
        %add3A_98 = arith.addi %mul3A_95, %add3A_97 : vector<16xi32>
        tpu.vector_store_idx %arg7[%add3A_98], %get3A_92 masked %lt3A_4 : memref<1024xf32, #tpu.memory_space<vmem>>[vector<16xi32>], vector<16xf32>, vector<16xi1>
        %mul3A_99 = arith.constant 8 : i32
        %mul3A_100 = arith.muli %scan3A_45, %mul3A_99 : i32
        %add3A_101 = arith.constant 1 : i32
        %add3A_102 = arith.addi %mul3A_100, %add3A_101 : i32
        %jit3A_103 = arith.constant 128 : i32
        %div3A_104 = arith.divsi %add3A_102, %jit3A_103 : i32
        %sign3A_105 = arith.constant 0 : i32
        %sign3A_106 = arith.cmpi sgt, %add3A_102, %sign3A_105 : i32
        %sign3A_107 = arith.extui %sign3A_106 : i1 to i32
        %sign3A_108 = arith.constant 0 : i32
        %sign3A_109 = arith.cmpi slt, %add3A_102, %sign3A_108 : i32
        %sign3A_110 = arith.extui %sign3A_109 : i1 to i32
        %sign3A_111 = arith.subi %sign3A_107, %sign3A_110 : i32
        %sign3A_112 = arith.constant 0 : i32
        %sign3A_113 = arith.cmpi sgt, %jit3A_103, %sign3A_112 : i32
        %sign3A_114 = arith.extui %sign3A_113 : i1 to i32
        %sign3A_115 = arith.constant 0 : i32
        %sign3A_116 = arith.cmpi slt, %jit3A_103, %sign3A_115 : i32
        %sign3A_117 = arith.extui %sign3A_116 : i1 to i32
        %sign3A_118 = arith.subi %sign3A_114, %sign3A_117 : i32
        %ne3A_119 = arith.cmpi ne, %sign3A_111, %sign3A_118 : i32
        %rem3A_120 = arith.remsi %add3A_102, %jit3A_103 : i32
        %ne3A_121 = arith.constant 0 : i32
        %ne3A_122 = arith.cmpi ne, %rem3A_120, %ne3A_121 : i32
        %and3A_123 = arith.andi %ne3A_119, %ne3A_122 : i1
        %sub3A_124 = arith.constant 1 : i32
        %sub3A_125 = arith.subi %div3A_104, %sub3A_124 : i32
        %select_n3A_126 = arith.select %and3A_123, %sub3A_125, %div3A_104 : i32
        %mul3A_127 = arith.constant 256 : i32
        %mul3A_128 = arith.muli %select_n3A_126, %mul3A_127 : i32
        %jit3A_129 = arith.constant 128 : i32
        %eq3A_130 = arith.constant 0 : i32
        %eq3A_131 = arith.cmpi eq, %jit3A_129, %eq3A_130 : i32
        %jit3A_132 = arith.constant 1 : i32
        %select_n3A_133 = arith.select %eq3A_131, %jit3A_132, %jit3A_129 : i32
        %rem3A_134 = arith.remsi %add3A_102, %select_n3A_133 : i32
        %ne3A_135 = arith.constant 0 : i32
        %ne3A_136 = arith.cmpi ne, %rem3A_134, %ne3A_135 : i32
        %lt3A_137 = arith.constant 0 : i32
        %lt3A_138 = arith.cmpi slt, %rem3A_134, %lt3A_137 : i32
        %lt3A_139 = arith.constant 0 : i32
        %lt3A_140 = arith.cmpi slt, %select_n3A_133, %lt3A_139 : i32
        %ne3A_141 = arith.xori %lt3A_138, %lt3A_140 : i1
        %and3A_142 = arith.andi %ne3A_141, %ne3A_136 : i1
        %add3A_143 = arith.addi %rem3A_134, %select_n3A_133 : i32
        %select_n3A_144 = arith.select %and3A_142, %add3A_143, %rem3A_134 : i32
        %get3A_145 = arith.index_cast %add3A_102 : i32 to index
        %get3A_146 = arith.constant 0 : index
        %get3A_147 = tpu.vector_load %arg6[%get3A_145, %get3A_146] {strides = array<i32>} : memref<512x128xf32, #tpu.memory_space<vmem>>, vector<16xf32>,
        %mul3A_148 = arith.constant 128 : i32
        %mul3A_149 = vector.broadcast %mul3A_148 : i32 to vector<16xi32>
        %mul3A_150 = arith.muli %iota3A, %mul3A_149 : vector<16xi32>
        %add3A_151 = arith.addi %mul3A_128, %select_n3A_144 : i32
        %add3A_152 = vector.broadcast %add3A_151 : i32 to vector<16xi32>
        %add3A_153 = arith.addi %mul3A_150, %add3A_152 : vector<16xi32>
        tpu.vector_store_idx %arg7[%add3A_153], %get3A_147 masked %lt3A_4 : memref<1024xf32, #tpu.memory_space<vmem>>[vector<16xi32>], vector<16xf32>, vector<16xi1>
        %mul3A_154 = arith.constant 8 : i32
        %mul3A_155 = arith.muli %scan3A_45, %mul3A_154 : i32
        %add3A_156 = arith.constant 2 : i32
        %add3A_157 = arith.addi %mul3A_155, %add3A_156 : i32
        %jit3A_158 = arith.constant 128 : i32
        %div3A_159 = arith.divsi %add3A_157, %jit3A_158 : i32
        %sign3A_160 = arith.constant 0 : i32
        %sign3A_161 = arith.cmpi sgt, %add3A_157, %sign3A_160 : i32
        %sign3A_162 = arith.extui %sign3A_161 : i1 to i32
        %sign3A_163 = arith.constant 0 : i32
        %sign3A_164 = arith.cmpi slt, %add3A_157, %sign3A_163 : i32
        %sign3A_165 = arith.extui %sign3A_164 : i1 to i32
        %sign3A_166 = arith.subi %sign3A_162, %sign3A_165 : i32
        %sign3A_167 = arith.constant 0 : i32
        %sign3A_168 = arith.cmpi sgt, %jit3A_158, %sign3A_167 : i32
        %sign3A_169 = arith.extui %sign3A_168 : i1 to i32
        %sign3A_170 = arith.constant 0 : i32
        %sign3A_171 = arith.cmpi slt, %jit3A_158, %sign3A_170 : i32
        %sign3A_172 = arith.extui %sign3A_171 : i1 to i32
        %sign3A_173 = arith.subi %sign3A_169, %sign3A_172 : i32
        %ne3A_174 = arith.cmpi ne, %sign3A_166, %sign3A_173 : i32
        %rem3A_175 = arith.remsi %add3A_157, %jit3A_158 : i32
        %ne3A_176 = arith.constant 0 : i32
        %ne3A_177 = arith.cmpi ne, %rem3A_175, %ne3A_176 : i32
        %and3A_178 = arith.andi %ne3A_174, %ne3A_177 : i1
        %sub3A_179 = arith.constant 1 : i32
        %sub3A_180 = arith.subi %div3A_159, %sub3A_179 : i32
        %select_n3A_181 = arith.select %and3A_178, %sub3A_180, %div3A_159 : i32
        %mul3A_182 = arith.constant 256 : i32
        %mul3A_183 = arith.muli %select_n3A_181, %mul3A_182 : i32
        %jit3A_184 = arith.constant 128 : i32
        %eq3A_185 = arith.constant 0 : i32
        %eq3A_186 = arith.cmpi eq, %jit3A_184, %eq3A_185 : i32
        %jit3A_187 = arith.constant 1 : i32
        %select_n3A_188 = arith.select %eq3A_186, %jit3A_187, %jit3A_184 : i32
        %rem3A_189 = arith.remsi %add3A_157, %select_n3A_188 : i32
        %ne3A_190 = arith.constant 0 : i32
        %ne3A_191 = arith.cmpi ne, %rem3A_189, %ne3A_190 : i32
        %lt3A_192 = arith.constant 0 : i32
        %lt3A_193 = arith.cmpi slt, %rem3A_189, %lt3A_192 : i32
        %lt3A_194 = arith.constant 0 : i32
        %lt3A_195 = arith.cmpi slt, %select_n3A_188, %lt3A_194 : i32
        %ne3A_196 = arith.xori %lt3A_193, %lt3A_195 : i1
        %and3A_197 = arith.andi %ne3A_196, %ne3A_191 : i1
        %add3A_198 = arith.addi %rem3A_189, %select_n3A_188 : i32
        %select_n3A_199 = arith.select %and3A_197, %add3A_198, %rem3A_189 : i32
        %get3A_200 = arith.index_cast %add3A_157 : i32 to index
        %get3A_201 = arith.constant 0 : index
        %get3A_202 = tpu.vector_load %arg6[%get3A_200, %get3A_201] {strides = array<i32>} : memref<512x128xf32, #tpu.memory_space<vmem>>, vector<16xf32>,
        %mul3A_203 = arith.constant 128 : i32
        %mul3A_204 = vector.broadcast %mul3A_203 : i32 to vector<16xi32>
        %mul3A_205 = arith.muli %iota3A, %mul3A_204 : vector<16xi32>
        %add3A_206 = arith.addi %mul3A_183, %select_n3A_199 : i32
        %add3A_207 = vector.broadcast %add3A_206 : i32 to vector<16xi32>
        %add3A_208 = arith.addi %mul3A_205, %add3A_207 : vector<16xi32>
        tpu.vector_store_idx %arg7[%add3A_208], %get3A_202 masked %lt3A_4 : memref<1024xf32, #tpu.memory_space<vmem>>[vector<16xi32>], vector<16xf32>, vector<16xi1>
        %mul3A_209 = arith.constant 8 : i32
        %mul3A_210 = arith.muli %scan3A_45, %mul3A_209 : i32
        %add3A_211 = arith.constant 3 : i32
        %add3A_212 = arith.addi %mul3A_210, %add3A_211 : i32
        %jit3A_213 = arith.constant 128 : i32
        %div3A_214 = arith.divsi %add3A_212, %jit3A_213 : i32
        %sign3A_215 = arith.constant 0 : i32
        %sign3A_216 = arith.cmpi sgt, %add3A_212, %sign3A_215 : i32
        %sign3A_217 = arith.extui %sign3A_216 : i1 to i32
        %sign3A_218 = arith.constant 0 : i32
        %sign3A_219 = arith.cmpi slt, %add3A_212, %sign3A_218 : i32
        %sign3A_220 = arith.extui %sign3A_219 : i1 to i32
        %sign3A_221 = arith.subi %sign3A_217, %sign3A_220 : i32
        %sign3A_222 = arith.constant 0 : i32
        %sign3A_223 = arith.cmpi sgt, %jit3A_213, %sign3A_222 : i32
        %sign3A_224 = arith.extui %sign3A_223 : i1 to i32
        %sign3A_225 = arith.constant 0 : i32
        %sign3A_226 = arith.cmpi slt, %jit3A_213, %sign3A_225 : i32
        %sign3A_227 = arith.extui %sign3A_226 : i1 to i32
        %sign3A_228 = arith.subi %sign3A_224, %sign3A_227 : i32
        %ne3A_229 = arith.cmpi ne, %sign3A_221, %sign3A_228 : i32
        %rem3A_230 = arith.remsi %add3A_212, %jit3A_213 : i32
        %ne3A_231 = arith.constant 0 : i32
        %ne3A_232 = arith.cmpi ne, %rem3A_230, %ne3A_231 : i32
        %and3A_233 = arith.andi %ne3A_229, %ne3A_232 : i1
        %sub3A_234 = arith.constant 1 : i32
        %sub3A_235 = arith.subi %div3A_214, %sub3A_234 : i32
        %select_n3A_236 = arith.select %and3A_233, %sub3A_235, %div3A_214 : i32
        %mul3A_237 = arith.constant 256 : i32
        %mul3A_238 = arith.muli %select_n3A_236, %mul3A_237 : i32
        %jit3A_239 = arith.constant 128 : i32
        %eq3A_240 = arith.constant 0 : i32
        %eq3A_241 = arith.cmpi eq, %jit3A_239, %eq3A_240 : i32
        %jit3A_242 = arith.constant 1 : i32
        %select_n3A_243 = arith.select %eq3A_241, %jit3A_242, %jit3A_239 : i32
        %rem3A_244 = arith.remsi %add3A_212, %select_n3A_243 : i32
        %ne3A_245 = arith.constant 0 : i32
        %ne3A_246 = arith.cmpi ne, %rem3A_244, %ne3A_245 : i32
        %lt3A_247 = arith.constant 0 : i32
        %lt3A_248 = arith.cmpi slt, %rem3A_244, %lt3A_247 : i32
        %lt3A_249 = arith.constant 0 : i32
        %lt3A_250 = arith.cmpi slt, %select_n3A_243, %lt3A_249 : i32
        %ne3A_251 = arith.xori %lt3A_248, %lt3A_250 : i1
        %and3A_252 = arith.andi %ne3A_251, %ne3A_246 : i1
        %add3A_253 = arith.addi %rem3A_244, %select_n3A_243 : i32
        %select_n3A_254 = arith.select %and3A_252, %add3A_253, %rem3A_244 : i32
        %get3A_255 = arith.index_cast %add3A_212 : i32 to index
        %get3A_256 = arith.constant 0 : index
        %get3A_257 = tpu.vector_load %arg6[%get3A_255, %get3A_256] {strides = array<i32>} : memref<512x128xf32, #tpu.memory_space<vmem>>, vector<16xf32>,
        %mul3A_258 = arith.constant 128 : i32
        %mul3A_259 = vector.broadcast %mul3A_258 : i32 to vector<16xi32>
        %mul3A_260 = arith.muli %iota3A, %mul3A_259 : vector<16xi32>
        %add3A_261 = arith.addi %mul3A_238, %select_n3A_254 : i32
        %add3A_262 = vector.broadcast %add3A_261 : i32 to vector<16xi32>
        %add3A_263 = arith.addi %mul3A_260, %add3A_262 : vector<16xi32>
        tpu.vector_store_idx %arg7[%add3A_263], %get3A_257 masked %lt3A_4 : memref<1024xf32, #tpu.memory_space<vmem>>[vector<16xi32>], vector<16xf32>, vector<16xi1>
        %mul3A_264 = arith.constant 8 : i32
        %mul3A_265 = arith.muli %scan3A_45, %mul3A_264 : i32
        %add3A_266 = arith.constant 4 : i32
        %add3A_267 = arith.addi %mul3A_265, %add3A_266 : i32
        %jit3A_268 = arith.constant 128 : i32
        %div3A_269 = arith.divsi %add3A_267, %jit3A_268 : i32
        %sign3A_270 = arith.constant 0 : i32
        %sign3A_271 = arith.cmpi sgt, %add3A_267, %sign3A_270 : i32
        %sign3A_272 = arith.extui %sign3A_271 : i1 to i32
        %sign3A_273 = arith.constant 0 : i32
        %sign3A_274 = arith.cmpi slt, %add3A_267, %sign3A_273 : i32
        %sign3A_275 = arith.extui %sign3A_274 : i1 to i32
        %sign3A_276 = arith.subi %sign3A_272, %sign3A_275 : i32
        %sign3A_277 = arith.constant 0 : i32
        %sign3A_278 = arith.cmpi sgt, %jit3A_268, %sign3A_277 : i32
        %sign3A_279 = arith.extui %sign3A_278 : i1 to i32
        %sign3A_280 = arith.constant 0 : i32
        %sign3A_281 = arith.cmpi slt, %jit3A_268, %sign3A_280 : i32
        %sign3A_282 = arith.extui %sign3A_281 : i1 to i32
        %sign3A_283 = arith.subi %sign3A_279, %sign3A_282 : i32
        %ne3A_284 = arith.cmpi ne, %sign3A_276, %sign3A_283 : i32
        %rem3A_285 = arith.remsi %add3A_267, %jit3A_268 : i32
        %ne3A_286 = arith.constant 0 : i32
        %ne3A_287 = arith.cmpi ne, %rem3A_285, %ne3A_286 : i32
        %and3A_288 = arith.andi %ne3A_284, %ne3A_287 : i1
        %sub3A_289 = arith.constant 1 : i32
        %sub3A_290 = arith.subi %div3A_269, %sub3A_289 : i32
        %select_n3A_291 = arith.select %and3A_288, %sub3A_290, %div3A_269 : i32
        %mul3A_292 = arith.constant 256 : i32
        %mul3A_293 = arith.muli %select_n3A_291, %mul3A_292 : i32
        %jit3A_294 = arith.constant 128 : i32
        %eq3A_295 = arith.constant 0 : i32
        %eq3A_296 = arith.cmpi eq, %jit3A_294, %eq3A_295 : i32
        %jit3A_297 = arith.constant 1 : i32
        %select_n3A_298 = arith.select %eq3A_296, %jit3A_297, %jit3A_294 : i32
        %rem3A_299 = arith.remsi %add3A_267, %select_n3A_298 : i32
        %ne3A_300 = arith.constant 0 : i32
        %ne3A_301 = arith.cmpi ne, %rem3A_299, %ne3A_300 : i32
        %lt3A_302 = arith.constant 0 : i32
        %lt3A_303 = arith.cmpi slt, %rem3A_299, %lt3A_302 : i32
        %lt3A_304 = arith.constant 0 : i32
        %lt3A_305 = arith.cmpi slt, %select_n3A_298, %lt3A_304 : i32
        %ne3A_306 = arith.xori %lt3A_303, %lt3A_305 : i1
        %and3A_307 = arith.andi %ne3A_306, %ne3A_301 : i1
        %add3A_308 = arith.addi %rem3A_299, %select_n3A_298 : i32
        %select_n3A_309 = arith.select %and3A_307, %add3A_308, %rem3A_299 : i32
        %get3A_310 = arith.index_cast %add3A_267 : i32 to index
        %get3A_311 = arith.constant 0 : index
        %get3A_312 = tpu.vector_load %arg6[%get3A_310, %get3A_311] {strides = array<i32>} : memref<512x128xf32, #tpu.memory_space<vmem>>, vector<16xf32>,
        %mul3A_313 = arith.constant 128 : i32
        %mul3A_314 = vector.broadcast %mul3A_313 : i32 to vector<16xi32>
        %mul3A_315 = arith.muli %iota3A, %mul3A_314 : vector<16xi32>
        %add3A_316 = arith.addi %mul3A_293, %select_n3A_309 : i32
        %add3A_317 = vector.broadcast %add3A_316 : i32 to vector<16xi32>
        %add3A_318 = arith.addi %mul3A_315, %add3A_317 : vector<16xi32>
        tpu.vector_store_idx %arg7[%add3A_318], %get3A_312 masked %lt3A_4 : memref<1024xf32, #tpu.memory_space<vmem>>[vector<16xi32>], vector<16xf32>, vector<16xi1>
        %mul3A_319 = arith.constant 8 : i32
        %mul3A_320 = arith.muli %scan3A_45, %mul3A_319 : i32
        %add3A_321 = arith.constant 5 : i32
        %add3A_322 = arith.addi %mul3A_320, %add3A_321 : i32
        %jit3A_323 = arith.constant 128 : i32
        %div3A_324 = arith.divsi %add3A_322, %jit3A_323 : i32
        %sign3A_325 = arith.constant 0 : i32
        %sign3A_326 = arith.cmpi sgt, %add3A_322, %sign3A_325 : i32
        %sign3A_327 = arith.extui %sign3A_326 : i1 to i32
        %sign3A_328 = arith.constant 0 : i32
        %sign3A_329 = arith.cmpi slt, %add3A_322, %sign3A_328 : i32
        %sign3A_330 = arith.extui %sign3A_329 : i1 to i32
        %sign3A_331 = arith.subi %sign3A_327, %sign3A_330 : i32
        %sign3A_332 = arith.constant 0 : i32
        %sign3A_333 = arith.cmpi sgt, %jit3A_323, %sign3A_332 : i32
        %sign3A_334 = arith.extui %sign3A_333 : i1 to i32
        %sign3A_335 = arith.constant 0 : i32
        %sign3A_336 = arith.cmpi slt, %jit3A_323, %sign3A_335 : i32
        %sign3A_337 = arith.extui %sign3A_336 : i1 to i32
        %sign3A_338 = arith.subi %sign3A_334, %sign3A_337 : i32
        %ne3A_339 = arith.cmpi ne, %sign3A_331, %sign3A_338 : i32
        %rem3A_340 = arith.remsi %add3A_322, %jit3A_323 : i32
        %ne3A_341 = arith.constant 0 : i32
        %ne3A_342 = arith.cmpi ne, %rem3A_340, %ne3A_341 : i32
        %and3A_343 = arith.andi %ne3A_339, %ne3A_342 : i1
        %sub3A_344 = arith.constant 1 : i32
        %sub3A_345 = arith.subi %div3A_324, %sub3A_344 : i32
        %select_n3A_346 = arith.select %and3A_343, %sub3A_345, %div3A_324 : i32
        %mul3A_347 = arith.constant 256 : i32
        %mul3A_348 = arith.muli %select_n3A_346, %mul3A_347 : i32
        %jit3A_349 = arith.constant 128 : i32
        %eq3A_350 = arith.constant 0 : i32
        %eq3A_351 = arith.cmpi eq, %jit3A_349, %eq3A_350 : i32
        %jit3A_352 = arith.constant 1 : i32
        %select_n3A_353 = arith.select %eq3A_351, %jit3A_352, %jit3A_349 : i32
        %rem3A_354 = arith.remsi %add3A_322, %select_n3A_353 : i32
        %ne3A_355 = arith.constant 0 : i32
        %ne3A_356 = arith.cmpi ne, %rem3A_354, %ne3A_355 : i32
        %lt3A_357 = arith.constant 0 : i32
        %lt3A_358 = arith.cmpi slt, %rem3A_354, %lt3A_357 : i32
        %lt3A_359 = arith.constant 0 : i32
        %lt3A_360 = arith.cmpi slt, %select_n3A_353, %lt3A_359 : i32
        %ne3A_361 = arith.xori %lt3A_358, %lt3A_360 : i1
        %and3A_362 = arith.andi %ne3A_361, %ne3A_356 : i1
        %add3A_363 = arith.addi %rem3A_354, %select_n3A_353 : i32
        %select_n3A_364 = arith.select %and3A_362, %add3A_363, %rem3A_354 : i32
        %get3A_365 = arith.index_cast %add3A_322 : i32 to index
        %get3A_366 = arith.constant 0 : index
        %get3A_367 = tpu.vector_load %arg6[%get3A_365, %get3A_366] {strides = array<i32>} : memref<512x128xf32, #tpu.memory_space<vmem>>, vector<16xf32>,
        %mul3A_368 = arith.constant 128 : i32
        %mul3A_369 = vector.broadcast %mul3A_368 : i32 to vector<16xi32>
        %mul3A_370 = arith.muli %iota3A, %mul3A_369 : vector<16xi32>
        %add3A_371 = arith.addi %mul3A_348, %select_n3A_364 : i32
        %add3A_372 = vector.broadcast %add3A_371 : i32 to vector<16xi32>
        %add3A_373 = arith.addi %mul3A_370, %add3A_372 : vector<16xi32>
        tpu.vector_store_idx %arg7[%add3A_373], %get3A_367 masked %lt3A_4 : memref<1024xf32, #tpu.memory_space<vmem>>[vector<16xi32>], vector<16xf32>, vector<16xi1>
        %mul3A_374 = arith.constant 8 : i32
        %mul3A_375 = arith.muli %scan3A_45, %mul3A_374 : i32
        %add3A_376 = arith.constant 6 : i32
        %add3A_377 = arith.addi %mul3A_375, %add3A_376 : i32
        %jit3A_378 = arith.constant 128 : i32
        %div3A_379 = arith.divsi %add3A_377, %jit3A_378 : i32
        %sign3A_380 = arith.constant 0 : i32
        %sign3A_381 = arith.cmpi sgt, %add3A_377, %sign3A_380 : i32
        %sign3A_382 = arith.extui %sign3A_381 : i1 to i32
        %sign3A_383 = arith.constant 0 : i32
        %sign3A_384 = arith.cmpi slt, %add3A_377, %sign3A_383 : i32
        %sign3A_385 = arith.extui %sign3A_384 : i1 to i32
        %sign3A_386 = arith.subi %sign3A_382, %sign3A_385 : i32
        %sign3A_387 = arith.constant 0 : i32
        %sign3A_388 = arith.cmpi sgt, %jit3A_378, %sign3A_387 : i32
        %sign3A_389 = arith.extui %sign3A_388 : i1 to i32
        %sign3A_390 = arith.constant 0 : i32
        %sign3A_391 = arith.cmpi slt, %jit3A_378, %sign3A_390 : i32
        %sign3A_392 = arith.extui %sign3A_391 : i1 to i32
        %sign3A_393 = arith.subi %sign3A_389, %sign3A_392 : i32
        %ne3A_394 = arith.cmpi ne, %sign3A_386, %sign3A_393 : i32
        %rem3A_395 = arith.remsi %add3A_377, %jit3A_378 : i32
        %ne3A_396 = arith.constant 0 : i32
        %ne3A_397 = arith.cmpi ne, %rem3A_395, %ne3A_396 : i32
        %and3A_398 = arith.andi %ne3A_394, %ne3A_397 : i1
        %sub3A_399 = arith.constant 1 : i32
        %sub3A_400 = arith.subi %div3A_379, %sub3A_399 : i32
        %select_n3A_401 = arith.select %and3A_398, %sub3A_400, %div3A_379 : i32
        %mul3A_402 = arith.constant 256 : i32
        %mul3A_403 = arith.muli %select_n3A_401, %mul3A_402 : i32
        %jit3A_404 = arith.constant 128 : i32
        %eq3A_405 = arith.constant 0 : i32
        %eq3A_406 = arith.cmpi eq, %jit3A_404, %eq3A_405 : i32
        %jit3A_407 = arith.constant 1 : i32
        %select_n3A_408 = arith.select %eq3A_406, %jit3A_407, %jit3A_404 : i32
        %rem3A_409 = arith.remsi %add3A_377, %select_n3A_408 : i32
        %ne3A_410 = arith.constant 0 : i32
        %ne3A_411 = arith.cmpi ne, %rem3A_409, %ne3A_410 : i32
        %lt3A_412 = arith.constant 0 : i32
        %lt3A_413 = arith.cmpi slt, %rem3A_409, %lt3A_412 : i32
        %lt3A_414 = arith.constant 0 : i32
        %lt3A_415 = arith.cmpi slt, %select_n3A_408, %lt3A_414 : i32
        %ne3A_416 = arith.xori %lt3A_413, %lt3A_415 : i1
        %and3A_417 = arith.andi %ne3A_416, %ne3A_411 : i1
        %add3A_418 = arith.addi %rem3A_409, %select_n3A_408 : i32
        %select_n3A_419 = arith.select %and3A_417, %add3A_418, %rem3A_409 : i32
        %get3A_420 = arith.index_cast %add3A_377 : i32 to index
        %get3A_421 = arith.constant 0 : index
        %get3A_422 = tpu.vector_load %arg6[%get3A_420, %get3A_421] {strides = array<i32>} : memref<512x128xf32, #tpu.memory_space<vmem>>, vector<16xf32>,
        %mul3A_423 = arith.constant 128 : i32
        %mul3A_424 = vector.broadcast %mul3A_423 : i32 to vector<16xi32>
        %mul3A_425 = arith.muli %iota3A, %mul3A_424 : vector<16xi32>
        %add3A_426 = arith.addi %mul3A_403, %select_n3A_419 : i32
        %add3A_427 = vector.broadcast %add3A_426 : i32 to vector<16xi32>
        %add3A_428 = arith.addi %mul3A_425, %add3A_427 : vector<16xi32>
        tpu.vector_store_idx %arg7[%add3A_428], %get3A_422 masked %lt3A_4 : memref<1024xf32, #tpu.memory_space<vmem>>[vector<16xi32>], vector<16xf32>, vector<16xi1>
        %mul3A_429 = arith.constant 8 : i32
        %mul3A_430 = arith.muli %scan3A_45, %mul3A_429 : i32
        %add3A_431 = arith.constant 7 : i32
        %add3A_432 = arith.addi %mul3A_430, %add3A_431 : i32
        %jit3A_433 = arith.constant 128 : i32
        %div3A_434 = arith.divsi %add3A_432, %jit3A_433 : i32
        %sign3A_435 = arith.constant 0 : i32
        %sign3A_436 = arith.cmpi sgt, %add3A_432, %sign3A_435 : i32
        %sign3A_437 = arith.extui %sign3A_436 : i1 to i32
        %sign3A_438 = arith.constant 0 : i32
        %sign3A_439 = arith.cmpi slt, %add3A_432, %sign3A_438 : i32
        %sign3A_440 = arith.extui %sign3A_439 : i1 to i32
        %sign3A_441 = arith.subi %sign3A_437, %sign3A_440 : i32
        %sign3A_442 = arith.constant 0 : i32
        %sign3A_443 = arith.cmpi sgt, %jit3A_433, %sign3A_442 : i32
        %sign3A_444 = arith.extui %sign3A_443 : i1 to i32
        %sign3A_445 = arith.constant 0 : i32
        %sign3A_446 = arith.cmpi slt, %jit3A_433, %sign3A_445 : i32
        %sign3A_447 = arith.extui %sign3A_446 : i1 to i32
        %sign3A_448 = arith.subi %sign3A_444, %sign3A_447 : i32
        %ne3A_449 = arith.cmpi ne, %sign3A_441, %sign3A_448 : i32
        %rem3A_450 = arith.remsi %add3A_432, %jit3A_433 : i32
        %ne3A_451 = arith.constant 0 : i32
        %ne3A_452 = arith.cmpi ne, %rem3A_450, %ne3A_451 : i32
        %and3A_453 = arith.andi %ne3A_449, %ne3A_452 : i1
        %sub3A_454 = arith.constant 1 : i32
        %sub3A_455 = arith.subi %div3A_434, %sub3A_454 : i32
        %select_n3A_456 = arith.select %and3A_453, %sub3A_455, %div3A_434 : i32
        %mul3A_457 = arith.constant 256 : i32
        %mul3A_458 = arith.muli %select_n3A_456, %mul3A_457 : i32
        %jit3A_459 = arith.constant 128 : i32
        %eq3A_460 = arith.constant 0 : i32
        %eq3A_461 = arith.cmpi eq, %jit3A_459, %eq3A_460 : i32
        %jit3A_462 = arith.constant 1 : i32
        %select_n3A_463 = arith.select %eq3A_461, %jit3A_462, %jit3A_459 : i32
        %rem3A_464 = arith.remsi %add3A_432, %select_n3A_463 : i32
        %ne3A_465 = arith.constant 0 : i32
        %ne3A_466 = arith.cmpi ne, %rem3A_464, %ne3A_465 : i32
        %lt3A_467 = arith.constant 0 : i32
        %lt3A_468 = arith.cmpi slt, %rem3A_464, %lt3A_467 : i32
        %lt3A_469 = arith.constant 0 : i32
        %lt3A_470 = arith.cmpi slt, %select_n3A_463, %lt3A_469 : i32
        %ne3A_471 = arith.xori %lt3A_468, %lt3A_470 : i1
        %and3A_472 = arith.andi %ne3A_471, %ne3A_466 : i1
        %add3A_473 = arith.addi %rem3A_464, %select_n3A_463 : i32
        %select_n3A_474 = arith.select %and3A_472, %add3A_473, %rem3A_464 : i32
        %get3A_475 = arith.index_cast %add3A_432 : i32 to index
        %get3A_476 = arith.constant 0 : index
        %get3A_477 = tpu.vector_load %arg6[%get3A_475, %get3A_476] {strides = array<i32>} : memref<512x128xf32, #tpu.memory_space<vmem>>, vector<16xf32>,
        %mul3A_478 = arith.constant 128 : i32
        %mul3A_479 = vector.broadcast %mul3A_478 : i32 to vector<16xi32>
        %mul3A_480 = arith.muli %iota3A, %mul3A_479 : vector<16xi32>
        %add3A_481 = arith.addi %mul3A_458, %select_n3A_474 : i32
        %add3A_482 = vector.broadcast %add3A_481 : i32 to vector<16xi32>
        %add3A_483 = arith.addi %mul3A_480, %add3A_482 : vector<16xi32>
        tpu.vector_store_idx %arg7[%add3A_483], %get3A_477 masked %lt3A_4 : memref<1024xf32, #tpu.memory_space<vmem>>[vector<16xi32>], vector<16xf32>, vector<16xi1>
      }
      %scan3A_42 = arith.constant 64 : i32
      %mul3A_43 = arith.constant 2 : i32
      %mul3A_44 = arith.muli %sub3A_32, %mul3A_43 : i32
      "tpu.region"() ({
        %run_scoped3A = tpu.sem_alloc : memref<!tpu.dma_semaphore, #tpu.memory_space<semaphore_mem>>
        %dma_start3A_45 = tpu.memref_slice %arg4[%select_n3A, %mul3A_44] : memref<200x32768xf32, #tpu.memory_space<hbm>> -> memref<1x1024xf32, #tpu.memory_space<hbm>>
        %dma_start3A_46 = tpu.memref_squeeze %dma_start3A_45 : memref<1x1024xf32, #tpu.memory_space<hbm>> -> memref<1024xf32, #tpu.memory_space<hbm>>
        %dma_start3A_47 = tpu.memref_slice %arg4[%select_n3A, %mul3A_44] : memref<200x32768xf32, #tpu.memory_space<hbm>> -> memref<1x1024xf32, #tpu.memory_space<hbm>>
        %dma_start3A_48 = tpu.memref_squeeze %dma_start3A_47 : memref<1x1024xf32, #tpu.memory_space<hbm>> -> memref<1024xf32, #tpu.memory_space<hbm>>
        tpu.enqueue_dma source(%arg7 : memref<1024xf32, #tpu.memory_space<vmem>>) target(%dma_start3A_48 : memref<1024xf32, #tpu.memory_space<hbm>>) target_semaphore(%run_scoped3A : memref<!tpu.dma_semaphore, #tpu.memory_space<semaphore_mem>>)
        %dma_wait3A_49 = tpu.memref_slice %arg4[%select_n3A, %mul3A_44] : memref<200x32768xf32, #tpu.memory_space<hbm>> -> memref<1x1024xf32, #tpu.memory_space<hbm>>
        %dma_wait3A_50 = tpu.memref_squeeze %dma_wait3A_49 : memref<1x1024xf32, #tpu.memory_space<hbm>> -> memref<1024xf32, #tpu.memory_space<hbm>>
        %dma_wait3A_51 = tpu.memref_slice %arg4[%select_n3A, %mul3A_44] : memref<200x32768xf32, #tpu.memory_space<hbm>> -> memref<1x1024xf32, #tpu.memory_space<hbm>>
        %dma_wait3A_52 = tpu.memref_squeeze %dma_wait3A_51 : memref<1x1024xf32, #tpu.memory_space<hbm>> -> memref<1024xf32, #tpu.memory_space<hbm>>
        tpu.wait_dma2 semaphore(%run_scoped3A : memref<!tpu.dma_semaphore, #tpu.memory_space<semaphore_mem>>) src(%arg7 : memref<1024xf32, #tpu.memory_space<vmem>>) dst(%dma_wait3A_52 : memref<1024xf32, #tpu.memory_space<hbm>>)
        tpu.yield
      }) : () -> ()
    }
    %scan3A_9 = arith.constant 200 : i32
    return
  }
}

module attributes {stable_mosaic.version = 14 : i64} {
  func.func @_fuse_body(%arg0: i32, %arg1: memref<256x256xf32, #tpu.memory_space<vmem>>, %arg2: memref<256x8192xf32, #tpu.memory_space<vmem>>, %arg3: memref<1x8192xf32, #tpu.memory_space<vmem>>, %arg4: memref<256x8192xf32, #tpu.memory_space<vmem>>) attributes {dimension_semantics = [#tpu.dimension_semantics<arbitrary>], iteration_bounds = array<i64: 62>, scalar_prefetch = 0 : i64, scratch_operands = 0 : i64, tpu.core_type = #tpu.core_type<tc>, window_params = [{transform_indices = @transform_0, window_bounds = array<i64: 256, 256>}, {pipeline_mode = #tpu.pipeline_mode<synchronous>, transform_indices = @transform_1, window_bounds = array<i64: 256, 8192>}, {pipeline_mode = #tpu.pipeline_mode<synchronous>, transform_indices = @transform_2, window_bounds = array<i64: 1, 8192>}, {transform_indices = @transform_3, window_bounds = array<i64: 256, 8192>}]} {
    %get3A = arith.constant 0 : index
    %get3A_0 = arith.constant 0 : index
    %get3A_1 = vector.load %arg1[%get3A, %get3A_0] : memref<256x256xf32, #tpu.memory_space<vmem>>, vector<256x256xf32>
    %get3A_2 = arith.constant 0 : index
    %get3A_3 = arith.constant 0 : index
    %get3A_4 = vector.load %arg2[%get3A_2, %get3A_3] : memref<256x8192xf32, #tpu.memory_space<vmem>>, vector<256x8192xf32>
    %dot_general3A = arith.constant dense<0.000000e+00> : vector<256x8192xf32>
    %dot_general3A_5 = tpu.matmul %get3A_1, %get3A_4, %dot_general3A {dimension_numbers = #tpu.dot_dimension_numbers<[1], [0], [0], [1], [0, 0, 1, 1], [], []>, transpose_lhs_hint = false} : vector<256x256xf32>, vector<256x8192xf32>, vector<256x8192xf32> -> vector<256x8192xf32>
    %get3A_6 = arith.constant 0 : index
    %get3A_7 = arith.constant 0 : index
    %get3A_8 = vector.load %arg3[%get3A_6, %get3A_7] : memref<1x8192xf32, #tpu.memory_space<vmem>>, vector<1x8192xf32>
    %add3A = vector.broadcast %get3A_8 : vector<1x8192xf32> to vector<256x8192xf32>
    %add3A_9 = arith.addf %dot_general3A_5, %add3A : vector<256x8192xf32>
    %swap3A = arith.constant 0 : index
    %swap3A_10 = arith.constant 0 : index
    %swap3A_11 = vector.load %arg4[%swap3A, %swap3A_10] : memref<256x8192xf32, #tpu.memory_space<vmem>>, vector<256x8192xf32>
    tpu.vector_store %arg4[%swap3A, %swap3A_10], %add3A_9 {strides = array<i32>} : memref<256x8192xf32, #tpu.memory_space<vmem>>, vector<256x8192xf32>,
    return
  }
  func.func @transform_0(%arg0: i32) -> (i32, i32) {
    %c0_i32 = arith.constant 0 : i32
    %c0_i32_0 = arith.constant 0 : i32
    return %arg0, %c0_i32 : i32, i32
  }
  func.func @transform_1(%arg0: i32) -> (i32, i32) {
    %c0_i32 = arith.constant 0 : i32
    %c0_i32_0 = arith.constant 0 : i32
    %c0_i32_1 = arith.constant 0 : i32
    return %c0_i32, %c0_i32_0 : i32, i32
  }
  func.func @transform_2(%arg0: i32) -> (i32, i32) {
    %c0_i32 = arith.constant 0 : i32
    %c0_i32_0 = arith.constant 0 : i32
    %c0_i32_1 = arith.constant 0 : i32
    return %c0_i32, %c0_i32_0 : i32, i32
  }
  func.func @transform_3(%arg0: i32) -> (i32, i32) {
    %c0_i32 = arith.constant 0 : i32
    %c0_i32_0 = arith.constant 0 : i32
    return %arg0, %c0_i32 : i32, i32
  }
}

</mosaic_0001>

<sc_bundles>
// kernel: kernel.4.cloned.1.call-start
scs
__scs_entry_jumppad:
0x0: {  	(pc) =	sbr.rel $0x88, $3  }
0x1: {  	(tag) =	ssettag $0x0;
	lr =	simm.s32 $0x1  }
0x2: {  	[smem:$0x3F9D] =	sst lr;
	_ =	strace $0xD0000000  }
0x3: {  	_ = 	snop  }
0x4: {  	_ = 	snop  }
0x5: {  	_ = 	snop  }
0x6: {  	_ = 	snop  }
0x7: {  	_ = 	snop  }
__scs_overlays_trampoline_lowered:
0x8: {  	[smem:$0x3FAC] =	sst s0  }
0x9: {  	[smem:$0x3FAD] =	sst s1  }
0xa: {  	[smem:$0x3FAE] =	sst s2  }
0xb: {  	[smem:$0x3FAF] =	sst s3  }
0xc: {  	[smem:$0x3FB0] =	sst s4  }
0xd: {  	[smem:$0x3FB1] =	sst s5  }
0xe: {  	[smem:$0x3FB2] =	sst s6  }
0xf: {  	[smem:$0x3FB3] =	sst s7  }
0x10: {  	[smem:$0x3FB4] =	sst s8  }
0x11: {  	[smem:$0x3FB5] =	sst s9;
	s0 =	simm.s32 @!p0 $0x0  }
0x12: {  	s1 =	sld [smem:$0x3F9B];
	s0 =	simm.s32 @p0 $0x1  }
0x13: {  	[smem:$0x3FB6] =	sst s0;
	s0 =	simm.s32 @!p1 $0x0  }
0x14: {  	s2 =	sld [smem:$0x3F9A];
	s0 =	simm.s32 @p1 $0x1  }
0x15: {  	[smem:$0x3FB7] =	sst s0;
	s0 =	simm.s32 @!p2 $0x0  }
0x16: {  	s3 =	sld [smem:$0x3FDB];
	s0 =	simm.s32 @p2 $0x1  }
0x17: {  	s4 =	simm.s32 $0x1BF5;
	[smem:$0x3FB9] =	sst s0  }
0x18: {  	s0 =	sld [smem:$0x3F9C];
	_ =	swait.ge [sflag:s4], $0x0  }
0x19: {  	s7 =	sld [smem:$0x3F9D]  }
0x1a: {  	s8 =	sadd.s32 $0xFFFFE003, lr  }
0x1b: {  	s9 =	sadd.s32 $0xFFFFFEF7, lr;
	s5 =	simm.s32 $0xFFFFFFFF;
	p2 =	slt.u32 s8, $0xFFFFF086  }
0x1c: {  	p1 =	slt.u32 s9, $0xF7A;
	s5 =	simm.s32 @!p2 $0x0  }
0x1d: {  	s5 =	simm.s32 @p1 $0x1;
	p0 =	seq.s32 s7, s2  }
0x1e: {  	s7 =	smul.u32 @!p0 $0xF7A, s2;
	p2 =	seq.s32 @!p0 s5, $0x0  }
0x1f: {  	s9 =	smul.u32 $0xF7A, s1;
	s8 =	simm.s32 @!p0 $0x1BF5;
	p2 =	por !p2, p0  }
0x20: {  	[sflag:s8] =	ssyncset.s32 @!p0 $0xFFFFF086;
	s6 =	sadd.s32 @!p0 s3, s7;
	s7 =	simm.s32 @!p0 $0x108  }
0x21: {  	s3 =	sadd.s32 s3, s9;
	s6 =	sadd.s32 @!p0 $0x88, s6;
	s7 =	simm.s32 @p2 $0x1082  }
0x22: {  	[simem:s7], [sflag:s8] =	dma.local @!p0 [hbm:s6], $0xF7A  }
0x23: {  	s9 =	sor.u32 $0xD0000000, s2;
	s6 =	simm.s32 $0x108;
	_ =	swait.ge @!p0 [sflag:s8], $0x0  }
0x24: {  	s3 =	sadd.s32 $0x88, s3;
	s6 =	simm.s32 @!p1 $0x1082;
	[sflag:s4] =	ssyncset.s32 $0xFFFFF086  }
0x25: {  	[simem:s6], [sflag:s4] =	dma.local [hbm:s3], $0xF7A  }
0x26: {  	[smem:$0x3F9D] =	sst s1;
	(tag) =	ssettag s2;
	_ =	strace s9  }
0x27: {  	s1 =	sld [smem:$0x3FAD]  }
0x28: {  	s2 =	sld [smem:$0x3FAE]  }
0x29: {  	s4 =	sld [smem:$0x3FB0]  }
0x2a: {  	p0 =	seq.s32 s5, $0x0;
	s5 =	sld [smem:$0x3FB1]  }
0x2b: {  	s6 =	sld [smem:$0x3FB2]  }
0x2c: {  	s7 =	sld [smem:$0x3FB3]  }
0x2d: {  	s3 =	simm.s32 $0x108;
	s8 =	sld [smem:$0x3FB4]  }
0x2e: {  	s3 =	simm.s32 @!p0 $0x1082;
	s9 =	sld [smem:$0x3FB5]  }
0x2f: {  	lr =	sadd.s32 s0, s3;
	s0 =	sld [smem:$0x3FAC]  }
0x30: {  	s3 =	sld [smem:$0x3FAF]  }
0x31: {  	[smem:$0x3FB8] =	sst s10  }
0x32: {  	s10 =	sld [smem:$0x3FB6];
	_ =	sdelay $0x3  }
0x33: {  	p0 =	seq.s32 s10, $0x1;
	s10 =	sld [smem:$0x3FB8];
	_ =	sdelay $0x3  }
0x34: {  	[smem:$0x3FB8] =	sst s10  }
0x35: {  	s10 =	sld [smem:$0x3FB7];
	_ =	sdelay $0x3  }
0x36: {  	p1 =	seq.s32 s10, $0x1;
	s10 =	sld [smem:$0x3FB8];
	_ =	sdelay $0x3  }
0x37: {  	[smem:$0x3FB8] =	sst s10  }
0x38: {  	s10 =	sld [smem:$0x3FB9]  }
0x39: {  	_ = 	snop;
	(pc) =	sbr.ind lr, $3  }
0x3a: {  	_ = 	snop  }
0x3b: {  	_ = 	snop  }
0x3c: {  	p2 =	seq.s32 s10, $0x1;
	s10 =	sld [smem:$0x3FB8]  }
0x3d: {  	_ =	shalt  }
0x3e: {  	_ =	shalt  }
0x3f: {  	_ =	shalt  }
0x40: {  	_ =	shalt  }
0x41: {  	_ =	shalt  }
0x42: {  	_ =	shalt  }
0x43: {  	_ =	shalt  }
0x44: {  	_ =	shalt  }
0x45: {  	_ =	shalt  }
0x46: {  	_ =	shalt  }
0x47: {  	_ =	shalt  }
0x48: {  	_ =	shalt  }
0x49: {  	_ =	shalt  }
0x4a: {  	_ =	shalt  }
0x4b: {  	_ =	shalt  }
0x4c: {  	_ =	shalt  }
0x4d: {  	_ =	shalt  }
0x4e: {  	_ =	shalt  }
0x4f: {  	_ =	shalt  }
0x50: {  	_ =	shalt  }
0x51: {  	_ =	shalt  }
0x52: {  	_ =	shalt  }
0x53: {  	_ =	shalt  }
0x54: {  	_ =	shalt  }
0x55: {  	_ =	shalt  }
0x56: {  	_ =	shalt  }
0x57: {  	_ =	shalt  }
0x58: {  	_ =	shalt  }
0x59: {  	_ =	shalt  }
0x5a: {  	_ =	shalt  }
0x5b: {  	_ =	shalt  }
0x5c: {  	_ =	shalt  }
0x5d: {  	_ =	shalt  }
0x5e: {  	_ =	shalt  }
0x5f: {  	_ =	shalt  }
0x60: {  	_ =	shalt  }
0x61: {  	_ =	shalt  }
0x62: {  	_ =	shalt  }
0x63: {  	_ =	shalt  }
0x64: {  	_ =	shalt  }
0x65: {  	_ =	shalt  }
0x66: {  	_ =	shalt  }
0x67: {  	_ =	shalt  }
0x68: {  	_ =	shalt  }
0x69: {  	_ =	shalt  }
0x6a: {  	_ =	shalt  }
0x6b: {  	_ =	shalt  }
0x6c: {  	_ =	shalt  }
0x6d: {  	_ =	shalt  }
0x6e: {  	_ =	shalt  }
0x6f: {  	_ =	shalt  }
0x70: {  	_ =	shalt  }
0x71: {  	_ =	shalt  }
0x72: {  	_ =	shalt  }
0x73: {  	_ =	shalt  }
0x74: {  	_ =	shalt  }
0x75: {  	_ =	shalt  }
0x76: {  	_ =	shalt  }
0x77: {  	_ =	shalt  }
0x78: {  	_ =	shalt  }
0x79: {  	_ =	shalt  }
0x7a: {  	_ =	shalt  }
0x7b: {  	_ =	shalt  }
0x7c: {  	_ =	shalt  }
0x7d: {  	_ =	shalt  }
0x7e: {  	_ =	shalt  }
0x7f: {  	_ =	shalt  }
0x80: {  	_ =	shalt  }
0x81: {  	_ =	shalt  }
0x82: {  	_ =	shalt  }
0x83: {  	_ =	shalt  }
0x84: {  	_ =	shalt  }
0x85: {  	_ =	shalt  }
0x86: {  	_ =	shalt  }
0x87: {  	_ =	shalt  }
.Lfunc_end0:
.L_simem_size_0:
called_computation_lowered:
.L_overlay_start_0:
0x88: {  	s2 =	sld [smem:$0x3FD9]  }
0x89: {  	s3 =	sld [smem:$0x3FFE];
	_ =	sdelay $0x1  }
0x8a: {  	s1 =	srdreg.scid  }
0x8b: {  	s0 =	sand.u32 $0x1, s1  }
0x8c: {  	s17 =	sshll.u32 s0, $0xA;
	s2 =	sadd.s32 s3, s2  }
0x8d: {  	s2 =	sadd.s32 s2, s17  }
0x8e: {  	[smem:$0x3FC4] =	sst s2  }
0x8f: {  	_ = 	snop  }
0x90: {  	s2 =	sld [smem:$0x3FD0];
	(tm) =	ssettm $0x1  }
0x91: {  	s18 =	sld [smem:$0x3FFB];
	_ =	sdelay $0x3  }
0x92: {  	_ =	strace s18  }
0x93: {  	s3 =	sld [smem:$0x3FFC];
	_ =	sdelay $0x3  }
0x94: {  	_ =	strace s3  }
0x95: {  	s3 =	sld [smem:$0x3FFD];
	_ =	sdelay $0x3  }
0x96: {  	_ =	strace s3  }
0x97: {  	_ =	strace $0x8FFFFFFF  }
0x98: {  	s19 =	sld [smem:$0x3FDB];
	_ =	sdelay $0x1  }
0x99: {  	s4 =	simm.s32 $_scs_section_size  }
0x9a: {  	s5 =	simm.s32 $_size__tile_overlayer_lowered;
	s6 =	simm.s32 $_tile_overlayer_lowered  }
0x9b: {  	s22 =	simm.s32 $0x1BFF;
	s21 =	sshll.u32 s6, $0x1;
	s3 =	sadd.s32 s4, s19  }
0x9c: {  	s7 =	simm.s32 $0x0;
	s20 =	sshll.u32 s5, $0x1;
	s5 =	sadd.s32 s21, s3  }
0x9d: {  	[timem:s7], [sflag:s22] =	dma.local [hbm:s5], s20  }
0x9e: {  	_ =	swait.ge [sflag:s22], s20  }
0x9f: {  	s4 =	ssub.s32 $0x0, s20;
	[sflag:s22] =	ssyncset.done $0x0  }
0xa0: {  	[sflag:s22] =	ssyncadd.s32 s4;
	_ =	sdelay $0x1  }
0xa1: {  	s23 =	simm.s32 $0x1B8B  }
0xa2: {  	_ =	swait.ge [sflag:s23], $0x1  }
0xa3: {  	[sflag:s23] =	ssyncset.done $0x0  }
0xa4: {  	s25 =	simm.s32 $0x1B8E;
	s24 =	sld [smem:$0x3FFE];
	[sflag:s23] =	ssyncadd.s32 $0xFFFFFFFF  }
0xa5: {  	s26 =	simm.s32 $execute0_lowered;
	[smem:$0x3FD2] =	sst s25  }
0xa6: {  	s5 =	sshll.u32 s26, $0x1;
	_ =	strace $0x80000046;
	[dreg:$0x1] =	wrdreg $0xFFFFFFFF  }
0xa7: {  	s28 =	simm.s32 $_size_execute0_lowered;
	s3 =	sadd.s32 s3, s5;
	[dreg:$0x0] =	wrdreg $0x0  }
0xa8: {  	s5 =	sshll.u32 s28, $0x1;
	[dreg:$0x2] =	wrdreg s3  }
0xa9: {  	[dreg:$0x3] =	wrdreg s5  }
0xaa: {  	[dreg:$0x4] =	wrdreg $0xC0  }
0xab: {  	_ =	task [dreg:s7], $0x5FFFF  }
0xac: {  	[dreg:$0x1] =	wrdreg $0xFFFFFFFF  }
0xad: {  	[dreg:$0x0] =	wrdreg $0x60  }
0xae: {  	[dreg:$0x2] =	wrdreg s24  }
0xaf: {  	[dreg:$0x3] =	wrdreg s2  }
0xb0: {  	[dreg:$0x4] =	wrdreg $0x9  }
0xb1: {  	_ =	task.clear_ibuf [dreg:s7], $0x5FFFF;
	_ =	strace $0x90000046  }
0xb2: {  	s29 =	simm.s32 $0x9;
	_ =	strace $0x80000048  }
0xb3: {  	_ =	swait.ge [sflag:s29], $0x1  }
0xb4: {  	[sflag:s29] =	ssyncadd.s32 $0xFFFFFFFF  }
0xb5: {  	_ =	strace $0x90000048  }
0xb6: {  	_ =	sfence  }
0xb7: {  	s30 =	sld [smem:$0x0];
	_ =	sdelay $0x2  }
0xb8: {  	s31 =	sshll.u32 s1, $0xD;
	s1 =	sshrl.u32 s1, $0x2  }
0xb9: {  	s3 =	sand.u32 $0x4000, s31;
	s1 =	sadd.s32 s1, s30  }
0xba: {  	s0 =	sor.u32 s3, s0;
	s1 =	sshll.u32 s1, $0x11  }
0xbb: {  	s0 =	sor.u32 s1, s0  }
0xbc: {  	s0 =	sadd.s32 $0x8F2B, s0  }
0xbd: {  	[sflag:s0] =	ssyncadd.remote.s32 $0x1  }
0xbe: {  	_ =	sfence.sel $0xFFFF  }
0xbf: {  	[dreg:$0x0] =	wrdreg $0xFFFFFFFF;
	(pc) =	sbr.abs _section_cstart, $3  }
0xc0: {  	[dreg:$0x1] =	wrdreg $0xFFFFFFFF  }
0xc1: {  	_ =	task.clear_ibuf [dreg:s7], $0x2FFFF;
	_ =	strace $0x9FFFFFFF  }
0xc2: {  	(tm) =	ssettm $0x7FFFFFFF  }
0xc3: {  	_ =	shalt  }
tec
execute0_lowered:
.L_overlay_start_1:
0x0: {  	(tag) =	ssettag $0x1  }
0x1: {  	s5 =	rddreg [dreg:$0x0]  }
0x2: {  	s1 =	rddreg [dreg:$0x1];
	s2 =	srdreg.scid  }
0x3: {  	s0 =	rddreg [dreg:$0x2];
	s3 =	simm.s32 $0x0;
	s10 =	simm.s32 $0x1  }
0x4: {  	s11 =	simm.s32 $0x10200;
	s12 =	simm.s32 $0x80;
	s13 =	simm.s32 $0x400  }
0x5: {  	s6 =	sand.u32 $0x1, s2;
	[smem:$0x7FF] =	sst s3;
	s2 =	stileid.u32  }
0x6: {  	s4 =	sadd.s32 $0xF44C00, s5;
	s5 =	sadd.s32 $0xC00, s5;
	s7 =	ssub.s32 $0x2, s6  }
0x7: {  	_ =	strace $0x80000047;
	s9 =	sshll.u32 s2, $0x1;
	s8 =	sshrl.u32 s7, $0x1  }
0x8: {  	v0 =	vlaneseq.u32;
	s6 =	sor.u32 s6, s9;
	s9 =	simm.s32 $0x200;
	s7 =	ssub.s32 s7, s8  }
0x9: {  	v0 =	vmul.u32 $0x80, v0;
	s6 =	smul.u32 $0x19000, s6;
	s8 =	simm.s32 $0x2;
	s7 =	smax.u32 s7, $0x1  }
.LBB2_1:
0xa: {  	s14 =	simm.s32 $0x0  }
.LBB2_2:
0xb: {  	s15 =	sshll.u32 s14, $0x9  }
0xc: {  	s15 =	sadd.s32 s6, s15  }
0xd: {  	s16 =	sshrl.u32 s15, $0x3  }
0xe: {  	s17 =	simm.s32 $0x0;
	s16 =	sadd.s32 s1, s16  }
0xf: {  	[tilespmem:s17], [sflag:$0x2] =	stream.linear.gather [hbm4b:s16+s17], $0x200, $0x38;
	[tilespmem:$0x10600] =	vst v63  }
0x10: {  	_ =	swait.ge [sflag:s8], $0x200  }
0x11: {  	[sflag:s8] =	ssyncset.done $0x0  }
0x12: {  	s23 =	sand.u32 $0x78, s17;
	s18 =	sand.u32 $0x300, s17;
	[sflag:s8] =	ssyncadd.s32 $0xFFFFFE00  }
0x13: {  	[tilespmem:s9], [sflag:$0x1] =	stream.indirect.gather [hbm4b:s4+s9], $0x80, s17, s9, $0xb8;
	[tilespmem:$0x10600] =	vst v63  }
0x14: {  	s16 =	sor.u32 s23, s18;
	_ =	swait.ge [sflag:s10], $0x10000  }
0x15: {  	v1 =	vmov s16;
	v2 =	vadd.s32 s16, v0;
	[sflag:s10] =	ssyncset.done $0x0  }
0x16: {  	s16 =	simm.s32 $0x400;
	v2 =	vand.u32 $0xF80, v2;
	v1 =	vand.u32 $0x78, v1;
	[sflag:s10] =	ssyncadd.s32 $0xFFFF0000  }
0x17: {  	v1 =	vor.u32 v1, v2;
	v3 =	vld [tilespmem:s16+$0xFFFFFE00]  }
0x18: {  	s24 =	simm.s32 $0x1  }
0x19: {  	s17 =	sand.u32 $0x79, s24  }
0x1a: {  	s17 =	sor.u32 s18, s17  }
0x1b: {  	v2 =	vmov s17;
	v4 =	vadd.s32 s17, v0  }
0x1c: {  	v2 =	vand.u32 $0x79, v2;
	[tilespmem:v1+s11+$0x0] =	vst.idx.msk $0x3, v3;
	v1 =	vand.u32 $0xF80, v4  }
0x1d: {  	v3 =	vld [tilespmem:s16+$0xFFFFFE80];
	v1 =	vor.u32 v2, v1  }
0x1e: {  	s25 =	simm.s32 $0x2  }
0x1f: {  	s17 =	sand.u32 $0x7A, s25  }
0x20: {  	s17 =	sor.u32 s18, s17  }
0x21: {  	v59 =	vadd.s32 s17, v0;
	v2 =	vmov s17  }
0x22: {  	v2 =	vand.u32 $0x7A, v2;
	[tilespmem:v1+s11+$0x0] =	vst.idx.msk $0x3, v3;
	v1 =	vand.u32 $0xF80, v59  }
0x23: {  	v3 =	vld [tilespmem:s16+$0xFFFFFF00];
	v1 =	vor.u32 v2, v1  }
0x24: {  	s26 =	simm.s32 $0x3  }
0x25: {  	s17 =	sand.u32 $0x7B, s26  }
0x26: {  	s17 =	sor.u32 s18, s17  }
0x27: {  	v60 =	vadd.s32 s17, v0;
	v2 =	vmov s17  }
0x28: {  	v2 =	vand.u32 $0x7B, v2;
	[tilespmem:v1+s11+$0x0] =	vst.idx.msk $0x3, v3;
	v1 =	vand.u32 $0xF80, v60  }
0x29: {  	v3 =	vld [tilespmem:s16+$0xFFFFFF80];
	v1 =	vor.u32 v2, v1  }
0x2a: {  	s28 =	simm.s32 $0x4  }
0x2b: {  	s17 =	sand.u32 $0x7C, s28  }
0x2c: {  	s17 =	sor.u32 s18, s17  }
0x2d: {  	v61 =	vadd.s32 s17, v0;
	v2 =	vmov s17  }
0x2e: {  	v2 =	vand.u32 $0x7C, v2;
	[tilespmem:v1+s11+$0x0] =	vst.idx.msk $0x3, v3;
	v1 =	vand.u32 $0xF80, v61  }
0x2f: {  	v3 =	vld [tilespmem:s16+$0x0];
	v1 =	vor.u32 v2, v1  }
0x30: {  	s29 =	simm.s32 $0x5  }
0x31: {  	s17 =	sand.u32 $0x7D, s29  }
0x32: {  	s17 =	sor.u32 s18, s17  }
0x33: {  	v62 =	vadd.s32 s17, v0;
	v2 =	vmov s17  }
0x34: {  	v2 =	vand.u32 $0x7D, v2;
	[tilespmem:v1+s11+$0x0] =	vst.idx.msk $0x3, v3;
	v1 =	vand.u32 $0xF80, v62  }
0x35: {  	v3 =	vld [tilespmem:s16+$0x80];
	v1 =	vor.u32 v2, v1  }
0x36: {  	s30 =	simm.s32 $0x6  }
0x37: {  	s17 =	sand.u32 $0x7E, s30  }
0x38: {  	s17 =	sor.u32 s18, s17  }
0x39: {  	v63 =	vadd.s32 s17, v0;
	v2 =	vmov s17  }
0x3a: {  	v2 =	vand.u32 $0x7E, v2;
	[tilespmem:v1+s11+$0x0] =	vst.idx.msk $0x3, v3;
	v1 =	vand.u32 $0xF80, v63  }
0x3b: {  	v3 =	vld [tilespmem:s16+$0x100];
	v1 =	vor.u32 v2, v1;
	_ =	sdelay $0x2  }
0x3c: {  	s31 =	simm.s32 $0x7  }
0x3d: {  	s19 =	sand.u32 $0x7F, s31  }
0x3e: {  	s18 =	sor.u32 s18, s19;
	[tilespmem:v1+s11+$0x0] =	vst.idx.msk $0x3, v3  }
0x3f: {  	v2 =	vadd.s32 s18, v0;
	v1 =	vld [tilespmem:s16+$0x180]  }
0x40: {  	s19 =	simm.s32 $0x10;
	s17 =	simm.s32 $0x8  }
0x41: {  	s20 =	simm.s32 $0x10;
	s21 =	sand.u32 $0x78, s17;
	s18 =	sand.u32 $0x300, s19  }
.LBB2_3:
0x42: {  	p0 =	sne.s32 s20, $0x1F8;
	s21 =	sor.u32 s21, s18  }
0x43: {  	v3 =	vmov s21;
	v4 =	vadd.s32 s21, v0  }
0x44: {  	s16 =	sadd.s32 $0x400, s16;
	v4 =	vand.u32 $0xF80, v4;
	v3 =	vand.u32 $0x78, v3;
	[tilespmem:v2+s11+$0x0] =	vst.idx.msk $0x3, v1  }
0x45: {  	v1 =	vld [tilespmem:s16+$0xFFFFFE00];
	v2 =	vor.u32 v3, v4  }
0x46: {  	s21 =	sadd.s32 $0x1, s17  }
0x47: {  	s21 =	sand.u32 $0x79, s21  }
0x48: {  	s21 =	sor.u32 s18, s21  }
0x49: {  	v3 =	vmov s21;
	v4 =	vadd.s32 s21, v0  }
0x4a: {  	[tilespmem:v2+s11+$0x0] =	vst.idx.msk $0x3, v1;
	v1 =	vand.u32 $0xF80, v4;
	v2 =	vand.u32 $0x79, v3  }
0x4b: {  	v3 =	vld [tilespmem:s16+$0xFFFFFE80];
	v1 =	vor.u32 v2, v1  }
0x4c: {  	s21 =	sadd.s32 $0x2, s17  }
0x4d: {  	s21 =	sand.u32 $0x7A, s21  }
0x4e: {  	s21 =	sor.u32 s18, s21  }
0x4f: {  	v4 =	vadd.s32 s21, v0;
	v2 =	vmov s21  }
0x50: {  	v2 =	vand.u32 $0x7A, v2;
	[tilespmem:v1+s11+$0x0] =	vst.idx.msk $0x3, v3;
	v1 =	vand.u32 $0xF80, v4  }
0x51: {  	v3 =	vld [tilespmem:s16+$0xFFFFFF00];
	v1 =	vor.u32 v2, v1  }
0x52: {  	s21 =	sadd.s32 $0x3, s17  }
0x53: {  	s21 =	sand.u32 $0x7B, s21  }
0x54: {  	s21 =	sor.u32 s18, s21  }
0x55: {  	v4 =	vadd.s32 s21, v0;
	v2 =	vmov s21  }
0x56: {  	v2 =	vand.u32 $0x7B, v2;
	[tilespmem:v1+s11+$0x0] =	vst.idx.msk $0x3, v3;
	v1 =	vand.u32 $0xF80, v4  }
0x57: {  	v3 =	vld [tilespmem:s16+$0xFFFFFF80];
	v1 =	vor.u32 v2, v1  }
0x58: {  	s21 =	sadd.s32 $0x4, s17  }
0x59: {  	s21 =	sand.u32 $0x7C, s21  }
0x5a: {  	s21 =	sor.u32 s18, s21  }
0x5b: {  	v4 =	vadd.s32 s21, v0;
	v2 =	vmov s21  }
0x5c: {  	v2 =	vand.u32 $0x7C, v2;
	[tilespmem:v1+s11+$0x0] =	vst.idx.msk $0x3, v3;
	v1 =	vand.u32 $0xF80, v4  }
0x5d: {  	v3 =	vld [tilespmem:s16+$0x0];
	v1 =	vor.u32 v2, v1  }
0x5e: {  	s21 =	sadd.s32 $0x5, s17  }
0x5f: {  	s21 =	sand.u32 $0x7D, s21  }
0x60: {  	s21 =	sor.u32 s18, s21  }
0x61: {  	v4 =	vadd.s32 s21, v0;
	v2 =	vmov s21  }
0x62: {  	v2 =	vand.u32 $0x7D, v2;
	[tilespmem:v1+s11+$0x0] =	vst.idx.msk $0x3, v3;
	v1 =	vand.u32 $0xF80, v4  }
0x63: {  	v3 =	vld [tilespmem:s16+$0x80];
	v1 =	vor.u32 v2, v1  }
0x64: {  	s21 =	sadd.s32 $0x6, s17  }
0x65: {  	s21 =	sand.u32 $0x7E, s21  }
0x66: {  	s21 =	sor.u32 s18, s21  }
0x67: {  	v4 =	vadd.s32 s21, v0;
	v2 =	vmov s21  }
0x68: {  	v2 =	vand.u32 $0x7E, v2;
	[tilespmem:v1+s11+$0x0] =	vst.idx.msk $0x3, v3;
	v1 =	vand.u32 $0xF80, v4  }
0x69: {  	v3 =	vld [tilespmem:s16+$0x100];
	v1 =	vor.u32 v2, v1;
	_ =	sdelay $0x2  }
0x6a: {  	s21 =	sadd.s32 $0x7, s17;
	s17 =	smov.u32 s20  }
.Ltmp0:
0x6b: {  	s21 =	sand.u32 $0x7F, s21;
	(pc) =	sbr.rel @p0 .LBB2_3-.Ltmp0, $4  }
0x6c: {  	s18 =	sor.u32 s18, s21;
	[tilespmem:v1+s11+$0x0] =	vst.idx.msk $0x3, v3  }
0x6d: {  	v2 =	vadd.s32 s18, v0;
	v1 =	vld [tilespmem:s16+$0x180]  }
0x6e: {  	s19 =	sadd.s32 $0x10, s19  }
0x6f: {  	s20 =	sadd.s32 $0x8, s20;
	s21 =	sand.u32 $0x78, s17;
	s18 =	sand.u32 $0x300, s19  }
0x70: {  	_ =	sdelay $0x1  }
0x71: {  	s19 =	sor.u32 s21, s18  }
0x72: {  	v3 =	vmov s19;
	v4 =	vadd.s32 s19, v0  }
0x73: {  	s16 =	sadd.s32 $0x400, s16;
	v4 =	vand.u32 $0xF80, v4;
	v3 =	vand.u32 $0x78, v3;
	[tilespmem:v2+s11+$0x0] =	vst.idx.msk $0x3, v1  }
0x74: {  	v1 =	vld [tilespmem:s16+$0xFFFFFE00];
	v2 =	vor.u32 v3, v4  }
0x75: {  	s21 =	sadd.s32 $0x1, s17  }
0x76: {  	s19 =	sand.u32 $0x79, s21  }
0x77: {  	s19 =	sor.u32 s18, s19  }
0x78: {  	v3 =	vmov s19;
	v58 =	vadd.s32 s19, v0  }
0x79: {  	[tilespmem:v2+s11+$0x0] =	vst.idx.msk $0x3, v1;
	v1 =	vand.u32 $0xF80, v58;
	v2 =	vand.u32 $0x79, v3  }
0x7a: {  	v3 =	vld [tilespmem:s16+$0xFFFFFE80];
	v1 =	vor.u32 v2, v1  }
0x7b: {  	s22 =	sadd.s32 $0x2, s17  }
0x7c: {  	s19 =	sand.u32 $0x7A, s22  }
0x7d: {  	s19 =	sor.u32 s18, s19  }
0x7e: {  	v59 =	vadd.s32 s19, v0;
	v2 =	vmov s19  }
0x7f: {  	v2 =	vand.u32 $0x7A, v2;
	[tilespmem:v1+s11+$0x0] =	vst.idx.msk $0x3, v3;
	v1 =	vand.u32 $0xF80, v59  }
0x80: {  	v3 =	vld [tilespmem:s16+$0xFFFFFF00];
	v1 =	vor.u32 v2, v1  }
0x81: {  	s23 =	sadd.s32 $0x3, s17  }
0x82: {  	s19 =	sand.u32 $0x7B, s23  }
0x83: {  	s19 =	sor.u32 s18, s19  }
0x84: {  	v60 =	vadd.s32 s19, v0;
	v2 =	vmov s19  }
0x85: {  	v2 =	vand.u32 $0x7B, v2;
	[tilespmem:v1+s11+$0x0] =	vst.idx.msk $0x3, v3;
	v1 =	vand.u32 $0xF80, v60  }
0x86: {  	v3 =	vld [tilespmem:s16+$0xFFFFFF80];
	v1 =	vor.u32 v2, v1  }
0x87: {  	s24 =	sadd.s32 $0x4, s17  }
0x88: {  	s19 =	sand.u32 $0x7C, s24  }
0x89: {  	s19 =	sor.u32 s18, s19  }
0x8a: {  	v61 =	vadd.s32 s19, v0;
	v2 =	vmov s19  }
0x8b: {  	v2 =	vand.u32 $0x7C, v2;
	[tilespmem:v1+s11+$0x0] =	vst.idx.msk $0x3, v3;
	v1 =	vand.u32 $0xF80, v61  }
0x8c: {  	v3 =	vld [tilespmem:s16+$0x0];
	v1 =	vor.u32 v2, v1  }
0x8d: {  	s25 =	sadd.s32 $0x5, s17  }
0x8e: {  	s19 =	sand.u32 $0x7D, s25  }
0x8f: {  	s19 =	sor.u32 s18, s19  }
0x90: {  	v62 =	vadd.s32 s19, v0;
	v2 =	vmov s19  }
0x91: {  	v2 =	vand.u32 $0x7D, v2;
	[tilespmem:v1+s11+$0x0] =	vst.idx.msk $0x3, v3;
	v1 =	vand.u32 $0xF80, v62  }
0x92: {  	v3 =	vld [tilespmem:s16+$0x80];
	v1 =	vor.u32 v2, v1  }
0x93: {  	s26 =	sadd.s32 $0x6, s17  }
0x94: {  	s19 =	sand.u32 $0x7E, s26  }
0x95: {  	s19 =	sor.u32 s18, s19  }
0x96: {  	v63 =	vadd.s32 s19, v0;
	v2 =	vmov s19  }
0x97: {  	v2 =	vand.u32 $0x7E, v2;
	[tilespmem:v1+s11+$0x0] =	vst.idx.msk $0x3, v3;
	v1 =	vand.u32 $0xF80, v63  }
0x98: {  	v3 =	vld [tilespmem:s16+$0x100];
	v1 =	vor.u32 v2, v1;
	_ =	sdelay $0x2  }
0x99: {  	s28 =	sadd.s32 $0x7, s17  }
0x9a: {  	s17 =	sand.u32 $0x7F, s28  }
0x9b: {  	s17 =	sor.u32 s18, s17;
	[tilespmem:v1+s11+$0x0] =	vst.idx.msk $0x3, v3  }
0x9c: {  	s29 =	sshll.u32 s15, $0x1;
	s30 =	sshll.u32 s15, $0x4;
	v2 =	vadd.s32 s17, v0;
	v1 =	vld [tilespmem:s16+$0x180]  }
0x9d: {  	s31 =	sshrl.u32 s15, $0x7;
	s17 =	sand.u32 $0x3FFF0, s30;
	s16 =	sand.u32 $0x7FFC0000, s29  }
0x9e: {  	s15 =	sand.u32 $0x380, s31;
	s16 =	sor.u32 s16, s17  }
0x9f: {  	s14 =	sadd.s32 $0x1, s14;
	s15 =	sor.u32 s15, s16  }
0xa0: {  	p0 =	sne.s32 s14, $0xC8;
	s15 =	sshrl.u32 s15, $0x3  }
.Ltmp1:
0xa1: {  	s15 =	sadd.s32 s5, s15;
	[tilespmem:v2+s11+$0x0] =	vst.idx.msk $0x3, v1;
	(pc) =	sbr.rel @p0 .LBB2_2-.Ltmp1, $4  }
0xa2: {  	[hbm4b:s15+s12] =	stream.strided.scatter [tilespmem:s11], [sflag:$0x2], $0x400, s13, s12, $0x38;
	[tilespmem:$0x10600] =	vst v63  }
0xa3: {  	_ =	swait.ge [sflag:s8], $0x400  }
0xa4: {  	[sflag:s8] =	ssyncset.done $0x0  }
0xa5: {  	[sflag:s8] =	ssyncadd.s32 $0xFFFFFC00  }
0xa6: {  	s3 =	sadd.s32 $0x1, s3  }
0xa7: {  	p0 =	sne.s32 s3, s7  }
.Ltmp2:
0xa8: {  	_ = 	snop;
	(pc) =	sbr.rel @p0 .LBB2_1-.Ltmp2, $1  }
0xa9: {  	_ =	sdelay $0x3  }
0xaa: {  	_ =	sfence.sel $0x180000  }
0xab: {  	[bflag:$0x0] =	sbarrier.arrive $0xFFFF  }
0xac: {  	p0 =	sne.s32 s2, $0x0;
	_ =	strace $0x90000047  }
0xad: {  	s0 =	sadd.s32 @!p0 $0x100000, s0;
	[bflag:$0x2] =	sbarrier.arrive $0xFFFF  }
0xae: {  	[sflag:s0] =	ssyncadd.tile.s32 @!p0 $0x1;
	_ =	shalt  }
.Lfunc_end2:
_tile_overlayer_lowered:
.L_overlay_start_2:
0xaf: {  	(tag) =	ssettag $0x2  }
0xb0: {  	s0 =	rddreg [dreg:$0x0];
	s2 =	stileid.u32  }
0xb1: {  	s1 =	rddreg [dreg:$0x1];
	p0 =	sne.s32 s2, $0x0  }
0xb2: {  	s3 =	rddreg [dreg:$0x2];
	[bflag:$0x3] =	sbarrier.arrive $0xFFFF;
	s2 =	simm.s32 @!p0 $0x1C02  }
0xb3: {  	[timem:s3], [sflag:s2] =	dma.local @!p0 [hbm:s0], s1  }
0xb4: {  	s0 =	simm.s32 @!p0 $0x2  }
0xb5: {  	_ =	swait.ge @!p0 [sflag:s0], s1  }
0xb6: {  	s1 =	ssub.s32 @!p0 $0x0, s1;
	[sflag:s0] =	ssyncset.done @!p0 $0x0  }
0xb7: {  	[sflag:s0] =	ssyncadd.s32 @!p0 s1  }
0xb8: {  	[bflag:$0x3] =	sbarrier.arrive $0xFFFF  }
0xb9: {  	_ =	shalt  }

</sc_bundles>
